<compile_context>
chip_gen: v7x
topology: tpu7x:2x2x1
jax: 0.10.2.dev20260603
libtpu: 0.0.44.dev20260713+nightly
codegen_flags: <defaults>
</compile_context>

<pallas_src>
import functools

import jax
import jax.numpy as jnp
from jax import lax
from jax.experimental import pallas as pl
from jax.experimental.pallas import tpu as pltpu
from jax.experimental.pallas import tpu_sc as plsc

_MAG_MASK = 0x7FFFFFFF
_INF_BITS = 0x7F800000

_N = 8 * 32 * 65536
_TC_SLABS = 7
_SC_BASE = _TC_SLABS * 32 * 65536
_NW = 32
_PER_W = (_N - _SC_BASE) // _NW
_CHUNK = 32768
_NCHUNK = _PER_W // _CHUNK
_LANES = 16
_UNROLL = 8


def _sc_partials(xf):
    mesh = plsc.VectorSubcoreMesh(core_axis_name="c", subcore_axis_name="s")

    @functools.partial(
        pl.kernel,
        mesh=mesh,
        out_type=jax.ShapeDtypeStruct((_NW, _LANES), jnp.int32),
        scratch_types=[
            pltpu.VMEM((_CHUNK,), jnp.float32),
            pltpu.VMEM((_CHUNK,), jnp.float32),
            pltpu.VMEM((_LANES,), jnp.int32),
            pltpu.SemaphoreType.DMA,
            pltpu.SemaphoreType.DMA,
        ],
    )
    def sc_kernel(x_hbm, out_hbm, buf0, buf1, acc_v, sem0, sem1):
        wid = lax.axis_index("s") * 2 + lax.axis_index("c")
        base = _SC_BASE + wid * _PER_W
        bufs = (buf0, buf1)
        sems = (sem0, sem1)

        def start(c):
            return pltpu.async_copy(
                x_hbm.at[pl.ds(base + c * _CHUNK, _CHUNK)], bufs[c % 2], sems[c % 2]
            )

        def reduce_chunk(buf, accs):
            def vec_body(i, a):
                off = i * (_LANES * _UNROLL)
                for k in range(_UNROLL):
                    v = buf[pl.ds(off + k * _LANES, _LANES)]
                    bits = lax.bitcast_convert_type(v, jnp.int32) & _MAG_MASK
                    j = k % 4
                    a = a[:j] + (jnp.maximum(a[j], bits),) + a[j + 1 :]
                return a

            return lax.fori_loop(0, _CHUNK // (_LANES * _UNROLL), vec_body, accs)

        accs = tuple(jnp.zeros((_LANES,), jnp.int32) for _ in range(4))
        pending = start(0)
        for c in range(_NCHUNK):
            nxt = start(c + 1) if c + 1 < _NCHUNK else None
            pending.wait()
            accs = reduce_chunk(bufs[c % 2], accs)
            pending = nxt

        acc = jnp.maximum(
            jnp.maximum(accs[0], accs[1]), jnp.maximum(accs[2], accs[3])
        )
        acc_v[...] = acc
        pltpu.sync_copy(acc_v, out_hbm.at[wid])

    return sc_kernel(xf)


def _tc_body(x_ref, out_ref, acc_ref):
    i = pl.program_id(0)
    bits = lax.bitcast_convert_type(x_ref[...], jnp.int32)
    m = jnp.max(bits & _MAG_MASK)

    @pl.when(i == 0)
    def _init():
        acc_ref[0] = m

    @pl.when(i > 0)
    def _acc():
        acc_ref[0] = jnp.maximum(acc_ref[0], m)

    @pl.when(i == _TC_SLABS - 1)
    def _finalize():
        out_ref[0, 0] = acc_ref[0]


def _combine_body(sc_ref, tc_ref, out_ref):
    m = jnp.maximum(jnp.max(sc_ref[...]), tc_ref[0, 0])
    out_ref[0, 0] = jnp.where(m <= _INF_BITS, 1, 0).astype(jnp.int32)


@jax.jit
def kernel(x):
    sc_parts = _sc_partials(x.reshape(_N))
    tc_part = pl.pallas_call(
        _tc_body,
        grid=(_TC_SLABS,),
        in_specs=[pl.BlockSpec((1, 32, 65536), lambda i: (i, 0, 0))],
        out_specs=pl.BlockSpec(
            block_shape=(1, 1),
            index_map=lambda i: (0, 0),
            memory_space=pltpu.SMEM,
        ),
        out_shape=jax.ShapeDtypeStruct((1, 1), jnp.int32),
        scratch_shapes=[pltpu.SMEM((1,), jnp.int32)],
    )(x)
    ok = pl.pallas_call(
        _combine_body,
        in_specs=[
            pl.BlockSpec(memory_space=pltpu.VMEM),
            pl.BlockSpec(memory_space=pltpu.SMEM),
        ],
        out_specs=pl.BlockSpec(memory_space=pltpu.SMEM),
        out_shape=jax.ShapeDtypeStruct((1, 1), jnp.int32),
    )(sc_parts, tc_part)
    return ok[0, 0].astype(jnp.bool_)

# --- scband reference (transcript-rebuilt; emitter-appended) ---
"""Pipeline reference for scband-my-model-61933428411894 (READ-ONLY COPY).

The authoritative reference and input builder live on the scoring server;
editing this copy changes nothing except your own understanding.
"""

import jax, jax.numpy as jnp
import numpy as np


def setup_inputs(seed: int = 0) -> dict:
    key = jax.random.key(seed)
    x = jax.random.normal(key, (8, 32, 65536), dtype=jnp.float32)
    return {"x": x}


def reference(x):
    # torch.unique(x, dim=-1): unique slices along the last dim, sorted lexicographically.
    # With continuous random floats every column is distinct, so the number of unique
    # columns equals x.shape[-1]; size= makes the shape static (matches torch output).
    def _unique_cols(m):
        r, c = m.shape
        perm = jnp.arange(c)

        def body(i, p):
            row = jax.lax.dynamic_index_in_dim(m, r - 1 - i, axis=0, keepdims=False)
            return p[jnp.argsort(row[p], stable=True)]

        perm = jax.lax.fori_loop(0, r, body, perm)
        s = m[:, perm]
        neq = jnp.any(s[:, 1:] != s[:, :-1], axis=0)
        mask = jnp.concatenate([jnp.ones((1,), dtype=bool), neq])
        idx = jnp.cumsum(mask) - 1
        out = jnp.broadcast_to(s[:, :1], (r, c))
        out = out.at[:, idx].set(s)
        return out

    pt_unique = _unique_cols(x.reshape(-1, x.shape[-1])).reshape(x.shape)
    orig_shape = x.shape
    x_reshaped = x.reshape(-1, orig_shape[-1])
    np_like_2d = _unique_cols(x_reshaped)
    new_shape = list(orig_shape)
    new_shape[-1] = np_like_2d.shape[1]
    np_like = np_like_2d.reshape(new_shape)
    return jnp.all(pt_unique == np_like)

if __name__ == "__main__":
    import jax
    _d = setup_inputs()
    print(jax.jit(kernel)(*tuple(_d.values())))

</pallas_src>

<mosaic_0001>
#map = affine_map<(d0, d1) -> (0)>
#map1 = affine_map<(d0, d1) -> (0, 0)>
module attributes {stable_mosaic.version = 14 : i64} {
  func.func @sc_kernel(%arg0: i32, %arg1: i32, %arg2: memref<16777216xf32, #tpu.memory_space<hbm>>, %arg3: memref<32x16xi32, #tpu.memory_space<hbm>>, %arg4: memref<32768xf32, #tpu.memory_space<vmem>>, %arg5: memref<32768xf32, #tpu.memory_space<vmem>>, %arg6: memref<16xi32, #tpu.memory_space<vmem>>, %arg7: memref<!tpu.dma_semaphore, #tpu.memory_space<semaphore_mem>>, %arg8: memref<!tpu.dma_semaphore, #tpu.memory_space<semaphore_mem>>) attributes {dimension_semantics = [#tpu.dimension_semantics<core_parallel>, #tpu.dimension_semantics<subcore_parallel>], iteration_bounds = array<i64: 2, 16>, scalar_prefetch = 0 : i64, scratch_operands = 5 : i64, tpu.core_type = #tpu.core_type<sc_vector_subcore>, window_params = [{transform_indices = #map}, {transform_indices = #map1}]} {
    %mul3A = arith.constant 2 : i32
    %mul3A_0 = arith.muli %arg1, %mul3A : i32
    %add3A = arith.addi %mul3A_0, %arg0 : i32
    %mul3A_1 = arith.constant 65536 : i32
    %mul3A_2 = arith.muli %add3A, %mul3A_1 : i32
    %add3A_3 = arith.constant 14680064 : i32
    %add3A_4 = arith.addi %add3A_3, %mul3A_2 : i32
    %broadcast_in_dim3A = arith.constant 0 : i32
    %broadcast_in_dim3A_5 = vector.broadcast %broadcast_in_dim3A : i32 to vector<16xi32>
    %broadcast_in_dim3A_6 = arith.constant 0 : i32
    %broadcast_in_dim3A_7 = vector.broadcast %broadcast_in_dim3A_6 : i32 to vector<16xi32>
    %broadcast_in_dim3A_8 = arith.constant 0 : i32
    %broadcast_in_dim3A_9 = vector.broadcast %broadcast_in_dim3A_8 : i32 to vector<16xi32>
    %broadcast_in_dim3A_10 = arith.constant 0 : i32
    %broadcast_in_dim3A_11 = vector.broadcast %broadcast_in_dim3A_10 : i32 to vector<16xi32>
    %add3A_12 = arith.constant 0 : i32
    %add3A_13 = arith.addi %add3A_4, %add3A_12 : i32
    %dma_start3A = tpu.memref_slice %arg2[%add3A_13] : memref<16777216xf32, #tpu.memory_space<hbm>> -> memref<32768xf32, #tpu.memory_space<hbm>>
    %dma_start3A_14 = tpu.memref_slice %arg2[%add3A_13] : memref<16777216xf32, #tpu.memory_space<hbm>> -> memref<32768xf32, #tpu.memory_space<hbm>>
    tpu.enqueue_dma source(%dma_start3A_14 : memref<32768xf32, #tpu.memory_space<hbm>>) target(%arg4 : memref<32768xf32, #tpu.memory_space<vmem>>) target_semaphore(%arg7 : memref<!tpu.dma_semaphore, #tpu.memory_space<semaphore_mem>>)
    %add3A_15 = arith.constant 32768 : i32
    %add3A_16 = arith.addi %add3A_4, %add3A_15 : i32
    %dma_start3A_17 = tpu.memref_slice %arg2[%add3A_16] : memref<16777216xf32, #tpu.memory_space<hbm>> -> memref<32768xf32, #tpu.memory_space<hbm>>
    %dma_start3A_18 = tpu.memref_slice %arg2[%add3A_16] : memref<16777216xf32, #tpu.memory_space<hbm>> -> memref<32768xf32, #tpu.memory_space<hbm>>
    tpu.enqueue_dma source(%dma_start3A_18 : memref<32768xf32, #tpu.memory_space<hbm>>) target(%arg5 : memref<32768xf32, #tpu.memory_space<vmem>>) target_semaphore(%arg8 : memref<!tpu.dma_semaphore, #tpu.memory_space<semaphore_mem>>)
    %dma_wait3A = tpu.memref_slice %arg2[%add3A_13] : memref<16777216xf32, #tpu.memory_space<hbm>> -> memref<32768xf32, #tpu.memory_space<hbm>>
    %dma_wait3A_19 = tpu.memref_slice %arg2[%add3A_13] : memref<16777216xf32, #tpu.memory_space<hbm>> -> memref<32768xf32, #tpu.memory_space<hbm>>
    tpu.wait_dma2 semaphore(%arg7 : memref<!tpu.dma_semaphore, #tpu.memory_space<semaphore_mem>>) src(%dma_wait3A_19 : memref<32768xf32, #tpu.memory_space<hbm>>) dst(%arg4 : memref<32768xf32, #tpu.memory_space<vmem>>)
    %scan3A = arith.constant 0 : i32
    %scan3A_20 = arith.constant 256 : i32
    %scan3A_21 = arith.addi %scan3A, %scan3A_20 : i32
    %scan3A_22 = arith.constant 1 : i32
    %scan3A_23:4 = scf.for %scan3A_38 = %scan3A to %scan3A_21 step %scan3A_22 iter_args(%scan3A_39 = %broadcast_in_dim3A_5, %scan3A_40 = %broadcast_in_dim3A_7, %scan3A_41 = %broadcast_in_dim3A_9, %scan3A_42 = %broadcast_in_dim3A_11) -> (vector<16xi32>, vector<16xi32>, vector<16xi32>, vector<16xi32>)  : i32 {
      %mul3A_43 = arith.constant 128 : i32
      %mul3A_44 = arith.muli %scan3A_38, %mul3A_43 : i32
      %add3A_45 = arith.constant 0 : i32
      %add3A_46 = arith.addi %mul3A_44, %add3A_45 : i32
      %get3A = arith.index_cast %add3A_46 : i32 to index
      %get3A_47 = tpu.vector_load %arg4[%get3A] {strides = array<i32>} : memref<32768xf32, #tpu.memory_space<vmem>>, vector<16xf32>,
      %get3A_48 = vector.shape_cast %get3A_47 : vector<16xf32> to vector<16xf32>
      %bitcast_convert_type3A = tpu.bitcast %get3A_48 : vector<16xf32> -> vector<16xi32>
      %and3A = arith.constant 2147483647 : i32
      %and3A_49 = vector.broadcast %and3A : i32 to vector<16xi32>
      %and3A_50 = arith.andi %bitcast_convert_type3A, %and3A_49 : vector<16xi32>
      %max3A_51 = arith.maxsi %scan3A_39, %and3A_50 : vector<16xi32>
      %add3A_52 = arith.constant 16 : i32
      %add3A_53 = arith.addi %mul3A_44, %add3A_52 : i32
      %get3A_54 = arith.index_cast %add3A_53 : i32 to index
      %get3A_55 = tpu.vector_load %arg4[%get3A_54] {strides = array<i32>} : memref<32768xf32, #tpu.memory_space<vmem>>, vector<16xf32>,
      %get3A_56 = vector.shape_cast %get3A_55 : vector<16xf32> to vector<16xf32>
      %bitcast_convert_type3A_57 = tpu.bitcast %get3A_56 : vector<16xf32> -> vector<16xi32>
      %and3A_58 = arith.constant 2147483647 : i32
      %and3A_59 = vector.broadcast %and3A_58 : i32 to vector<16xi32>
      %and3A_60 = arith.andi %bitcast_convert_type3A_57, %and3A_59 : vector<16xi32>
      %max3A_61 = arith.maxsi %scan3A_40, %and3A_60 : vector<16xi32>
      %add3A_62 = arith.constant 32 : i32
      %add3A_63 = arith.addi %mul3A_44, %add3A_62 : i32
      %get3A_64 = arith.index_cast %add3A_63 : i32 to index
      %get3A_65 = tpu.vector_load %arg4[%get3A_64] {strides = array<i32>} : memref<32768xf32, #tpu.memory_space<vmem>>, vector<16xf32>,
      %get3A_66 = vector.shape_cast %get3A_65 : vector<16xf32> to vector<16xf32>
      %bitcast_convert_type3A_67 = tpu.bitcast %get3A_66 : vector<16xf32> -> vector<16xi32>
      %and3A_68 = arith.constant 2147483647 : i32
      %and3A_69 = vector.broadcast %and3A_68 : i32 to vector<16xi32>
      %and3A_70 = arith.andi %bitcast_convert_type3A_67, %and3A_69 : vector<16xi32>
      %max3A_71 = arith.maxsi %scan3A_41, %and3A_70 : vector<16xi32>
      %add3A_72 = arith.constant 48 : i32
      %add3A_73 = arith.addi %mul3A_44, %add3A_72 : i32
      %get3A_74 = arith.index_cast %add3A_73 : i32 to index
      %get3A_75 = tpu.vector_load %arg4[%get3A_74] {strides = array<i32>} : memref<32768xf32, #tpu.memory_space<vmem>>, vector<16xf32>,
      %get3A_76 = vector.shape_cast %get3A_75 : vector<16xf32> to vector<16xf32>
      %bitcast_convert_type3A_77 = tpu.bitcast %get3A_76 : vector<16xf32> -> vector<16xi32>
      %and3A_78 = arith.constant 2147483647 : i32
      %and3A_79 = vector.broadcast %and3A_78 : i32 to vector<16xi32>
      %and3A_80 = arith.andi %bitcast_convert_type3A_77, %and3A_79 : vector<16xi32>
      %max3A_81 = arith.maxsi %scan3A_42, %and3A_80 : vector<16xi32>
      %add3A_82 = arith.constant 64 : i32
      %add3A_83 = arith.addi %mul3A_44, %add3A_82 : i32
      %get3A_84 = arith.index_cast %add3A_83 : i32 to index
      %get3A_85 = tpu.vector_load %arg4[%get3A_84] {strides = array<i32>} : memref<32768xf32, #tpu.memory_space<vmem>>, vector<16xf32>,
      %get3A_86 = vector.shape_cast %get3A_85 : vector<16xf32> to vector<16xf32>
      %bitcast_convert_type3A_87 = tpu.bitcast %get3A_86 : vector<16xf32> -> vector<16xi32>
      %and3A_88 = arith.constant 2147483647 : i32
      %and3A_89 = vector.broadcast %and3A_88 : i32 to vector<16xi32>
      %and3A_90 = arith.andi %bitcast_convert_type3A_87, %and3A_89 : vector<16xi32>
      %max3A_91 = arith.maxsi %max3A_51, %and3A_90 : vector<16xi32>
      %add3A_92 = arith.constant 80 : i32
      %add3A_93 = arith.addi %mul3A_44, %add3A_92 : i32
      %get3A_94 = arith.index_cast %add3A_93 : i32 to index
      %get3A_95 = tpu.vector_load %arg4[%get3A_94] {strides = array<i32>} : memref<32768xf32, #tpu.memory_space<vmem>>, vector<16xf32>,
      %get3A_96 = vector.shape_cast %get3A_95 : vector<16xf32> to vector<16xf32>
      %bitcast_convert_type3A_97 = tpu.bitcast %get3A_96 : vector<16xf32> -> vector<16xi32>
      %and3A_98 = arith.constant 2147483647 : i32
      %and3A_99 = vector.broadcast %and3A_98 : i32 to vector<16xi32>
      %and3A_100 = arith.andi %bitcast_convert_type3A_97, %and3A_99 : vector<16xi32>
      %max3A_101 = arith.maxsi %max3A_61, %and3A_100 : vector<16xi32>
      %add3A_102 = arith.constant 96 : i32
      %add3A_103 = arith.addi %mul3A_44, %add3A_102 : i32
      %get3A_104 = arith.index_cast %add3A_103 : i32 to index
      %get3A_105 = tpu.vector_load %arg4[%get3A_104] {strides = array<i32>} : memref<32768xf32, #tpu.memory_space<vmem>>, vector<16xf32>,
      %get3A_106 = vector.shape_cast %get3A_105 : vector<16xf32> to vector<16xf32>
      %bitcast_convert_type3A_107 = tpu.bitcast %get3A_106 : vector<16xf32> -> vector<16xi32>
      %and3A_108 = arith.constant 2147483647 : i32
      %and3A_109 = vector.broadcast %and3A_108 : i32 to vector<16xi32>
      %and3A_110 = arith.andi %bitcast_convert_type3A_107, %and3A_109 : vector<16xi32>
      %max3A_111 = arith.maxsi %max3A_71, %and3A_110 : vector<16xi32>
      %add3A_112 = arith.constant 112 : i32
      %add3A_113 = arith.addi %mul3A_44, %add3A_112 : i32
      %get3A_114 = arith.index_cast %add3A_113 : i32 to index
      %get3A_115 = tpu.vector_load %arg4[%get3A_114] {strides = array<i32>} : memref<32768xf32, #tpu.memory_space<vmem>>, vector<16xf32>,
      %get3A_116 = vector.shape_cast %get3A_115 : vector<16xf32> to vector<16xf32>
      %bitcast_convert_type3A_117 = tpu.bitcast %get3A_116 : vector<16xf32> -> vector<16xi32>
      %and3A_118 = arith.constant 2147483647 : i32
      %and3A_119 = vector.broadcast %and3A_118 : i32 to vector<16xi32>
      %and3A_120 = arith.andi %bitcast_convert_type3A_117, %and3A_119 : vector<16xi32>
      %max3A_121 = arith.maxsi %max3A_81, %and3A_120 : vector<16xi32>
      scf.yield %max3A_91, %max3A_101, %max3A_111, %max3A_121 : vector<16xi32>, vector<16xi32>, vector<16xi32>, vector<16xi32>
    }
    %scan3A_24 = arith.constant 256 : i32
    %dma_wait3A_25 = tpu.memref_slice %arg2[%add3A_16] : memref<16777216xf32, #tpu.memory_space<hbm>> -> memref<32768xf32, #tpu.memory_space<hbm>>
    %dma_wait3A_26 = tpu.memref_slice %arg2[%add3A_16] : memref<16777216xf32, #tpu.memory_space<hbm>> -> memref<32768xf32, #tpu.memory_space<hbm>>
    tpu.wait_dma2 semaphore(%arg8 : memref<!tpu.dma_semaphore, #tpu.memory_space<semaphore_mem>>) src(%dma_wait3A_26 : memref<32768xf32, #tpu.memory_space<hbm>>) dst(%arg5 : memref<32768xf32, #tpu.memory_space<vmem>>)
    %scan3A_27 = arith.constant 0 : i32
    %scan3A_28 = arith.constant 256 : i32
    %scan3A_29 = arith.addi %scan3A_27, %scan3A_28 : i32
    %scan3A_30 = arith.constant 1 : i32
    %scan3A_31:4 = scf.for %scan3A_38 = %scan3A_27 to %scan3A_29 step %scan3A_30 iter_args(%scan3A_39 = %scan3A_23#0, %scan3A_40 = %scan3A_23#1, %scan3A_41 = %scan3A_23#2, %scan3A_42 = %scan3A_23#3) -> (vector<16xi32>, vector<16xi32>, vector<16xi32>, vector<16xi32>)  : i32 {
      %mul3A_43 = arith.constant 128 : i32
      %mul3A_44 = arith.muli %scan3A_38, %mul3A_43 : i32
      %add3A_45 = arith.constant 0 : i32
      %add3A_46 = arith.addi %mul3A_44, %add3A_45 : i32
      %get3A = arith.index_cast %add3A_46 : i32 to index
      %get3A_47 = tpu.vector_load %arg5[%get3A] {strides = array<i32>} : memref<32768xf32, #tpu.memory_space<vmem>>, vector<16xf32>,
      %get3A_48 = vector.shape_cast %get3A_47 : vector<16xf32> to vector<16xf32>
      %bitcast_convert_type3A = tpu.bitcast %get3A_48 : vector<16xf32> -> vector<16xi32>
      %and3A = arith.constant 2147483647 : i32
      %and3A_49 = vector.broadcast %and3A : i32 to vector<16xi32>
      %and3A_50 = arith.andi %bitcast_convert_type3A, %and3A_49 : vector<16xi32>
      %max3A_51 = arith.maxsi %scan3A_39, %and3A_50 : vector<16xi32>
      %add3A_52 = arith.constant 16 : i32
      %add3A_53 = arith.addi %mul3A_44, %add3A_52 : i32
      %get3A_54 = arith.index_cast %add3A_53 : i32 to index
      %get3A_55 = tpu.vector_load %arg5[%get3A_54] {strides = array<i32>} : memref<32768xf32, #tpu.memory_space<vmem>>, vector<16xf32>,
      %get3A_56 = vector.shape_cast %get3A_55 : vector<16xf32> to vector<16xf32>
      %bitcast_convert_type3A_57 = tpu.bitcast %get3A_56 : vector<16xf32> -> vector<16xi32>
      %and3A_58 = arith.constant 2147483647 : i32
      %and3A_59 = vector.broadcast %and3A_58 : i32 to vector<16xi32>
      %and3A_60 = arith.andi %bitcast_convert_type3A_57, %and3A_59 : vector<16xi32>
      %max3A_61 = arith.maxsi %scan3A_40, %and3A_60 : vector<16xi32>
      %add3A_62 = arith.constant 32 : i32
      %add3A_63 = arith.addi %mul3A_44, %add3A_62 : i32
      %get3A_64 = arith.index_cast %add3A_63 : i32 to index
      %get3A_65 = tpu.vector_load %arg5[%get3A_64] {strides = array<i32>} : memref<32768xf32, #tpu.memory_space<vmem>>, vector<16xf32>,
      %get3A_66 = vector.shape_cast %get3A_65 : vector<16xf32> to vector<16xf32>
      %bitcast_convert_type3A_67 = tpu.bitcast %get3A_66 : vector<16xf32> -> vector<16xi32>
      %and3A_68 = arith.constant 2147483647 : i32
      %and3A_69 = vector.broadcast %and3A_68 : i32 to vector<16xi32>
      %and3A_70 = arith.andi %bitcast_convert_type3A_67, %and3A_69 : vector<16xi32>
      %max3A_71 = arith.maxsi %scan3A_41, %and3A_70 : vector<16xi32>
      %add3A_72 = arith.constant 48 : i32
      %add3A_73 = arith.addi %mul3A_44, %add3A_72 : i32
      %get3A_74 = arith.index_cast %add3A_73 : i32 to index
      %get3A_75 = tpu.vector_load %arg5[%get3A_74] {strides = array<i32>} : memref<32768xf32, #tpu.memory_space<vmem>>, vector<16xf32>,
      %get3A_76 = vector.shape_cast %get3A_75 : vector<16xf32> to vector<16xf32>
      %bitcast_convert_type3A_77 = tpu.bitcast %get3A_76 : vector<16xf32> -> vector<16xi32>
      %and3A_78 = arith.constant 2147483647 : i32
      %and3A_79 = vector.broadcast %and3A_78 : i32 to vector<16xi32>
      %and3A_80 = arith.andi %bitcast_convert_type3A_77, %and3A_79 : vector<16xi32>
      %max3A_81 = arith.maxsi %scan3A_42, %and3A_80 : vector<16xi32>
      %add3A_82 = arith.constant 64 : i32
      %add3A_83 = arith.addi %mul3A_44, %add3A_82 : i32
      %get3A_84 = arith.index_cast %add3A_83 : i32 to index
      %get3A_85 = tpu.vector_load %arg5[%get3A_84] {strides = array<i32>} : memref<32768xf32, #tpu.memory_space<vmem>>, vector<16xf32>,
      %get3A_86 = vector.shape_cast %get3A_85 : vector<16xf32> to vector<16xf32>
      %bitcast_convert_type3A_87 = tpu.bitcast %get3A_86 : vector<16xf32> -> vector<16xi32>
      %and3A_88 = arith.constant 2147483647 : i32
      %and3A_89 = vector.broadcast %and3A_88 : i32 to vector<16xi32>
      %and3A_90 = arith.andi %bitcast_convert_type3A_87, %and3A_89 : vector<16xi32>
      %max3A_91 = arith.maxsi %max3A_51, %and3A_90 : vector<16xi32>
      %add3A_92 = arith.constant 80 : i32
      %add3A_93 = arith.addi %mul3A_44, %add3A_92 : i32
      %get3A_94 = arith.index_cast %add3A_93 : i32 to index
      %get3A_95 = tpu.vector_load %arg5[%get3A_94] {strides = array<i32>} : memref<32768xf32, #tpu.memory_space<vmem>>, vector<16xf32>,
      %get3A_96 = vector.shape_cast %get3A_95 : vector<16xf32> to vector<16xf32>
      %bitcast_convert_type3A_97 = tpu.bitcast %get3A_96 : vector<16xf32> -> vector<16xi32>
      %and3A_98 = arith.constant 2147483647 : i32
      %and3A_99 = vector.broadcast %and3A_98 : i32 to vector<16xi32>
      %and3A_100 = arith.andi %bitcast_convert_type3A_97, %and3A_99 : vector<16xi32>
      %max3A_101 = arith.maxsi %max3A_61, %and3A_100 : vector<16xi32>
      %add3A_102 = arith.constant 96 : i32
      %add3A_103 = arith.addi %mul3A_44, %add3A_102 : i32
      %get3A_104 = arith.index_cast %add3A_103 : i32 to index
      %get3A_105 = tpu.vector_load %arg5[%get3A_104] {strides = array<i32>} : memref<32768xf32, #tpu.memory_space<vmem>>, vector<16xf32>,
      %get3A_106 = vector.shape_cast %get3A_105 : vector<16xf32> to vector<16xf32>
      %bitcast_convert_type3A_107 = tpu.bitcast %get3A_106 : vector<16xf32> -> vector<16xi32>
      %and3A_108 = arith.constant 2147483647 : i32
      %and3A_109 = vector.broadcast %and3A_108 : i32 to vector<16xi32>
      %and3A_110 = arith.andi %bitcast_convert_type3A_107, %and3A_109 : vector<16xi32>
      %max3A_111 = arith.maxsi %max3A_71, %and3A_110 : vector<16xi32>
      %add3A_112 = arith.constant 112 : i32
      %add3A_113 = arith.addi %mul3A_44, %add3A_112 : i32
      %get3A_114 = arith.index_cast %add3A_113 : i32 to index
      %get3A_115 = tpu.vector_load %arg5[%get3A_114] {strides = array<i32>} : memref<32768xf32, #tpu.memory_space<vmem>>, vector<16xf32>,
      %get3A_116 = vector.shape_cast %get3A_115 : vector<16xf32> to vector<16xf32>
      %bitcast_convert_type3A_117 = tpu.bitcast %get3A_116 : vector<16xf32> -> vector<16xi32>
      %and3A_118 = arith.constant 2147483647 : i32
      %and3A_119 = vector.broadcast %and3A_118 : i32 to vector<16xi32>
      %and3A_120 = arith.andi %bitcast_convert_type3A_117, %and3A_119 : vector<16xi32>
      %max3A_121 = arith.maxsi %max3A_81, %and3A_120 : vector<16xi32>
      scf.yield %max3A_91, %max3A_101, %max3A_111, %max3A_121 : vector<16xi32>, vector<16xi32>, vector<16xi32>, vector<16xi32>
    }
    %scan3A_32 = arith.constant 256 : i32
    %max3A = arith.maxsi %scan3A_31#0, %scan3A_31#1 : vector<16xi32>
    %max3A_33 = arith.maxsi %scan3A_31#2, %scan3A_31#3 : vector<16xi32>
    %max3A_34 = arith.maxsi %max3A, %max3A_33 : vector<16xi32>
    %swap3A = arith.constant 0 : index
    %swap3A_35 = tpu.vector_load %arg6[%swap3A] {strides = array<i32>} : memref<16xi32, #tpu.memory_space<vmem>>, vector<16xi32>,
    %swap3A_36 = vector.shape_cast %swap3A_35 : vector<16xi32> to vector<16xi32>
    %swap3A_37 = vector.shape_cast %max3A_34 : vector<16xi32> to vector<16xi32>
    tpu.vector_store %arg6[%swap3A], %swap3A_37 {strides = array<i32>} : memref<16xi32, #tpu.memory_space<vmem>>, vector<16xi32>,
    "tpu.region"() ({
      %run_scoped3A = tpu.sem_alloc : memref<!tpu.dma_semaphore, #tpu.memory_space<semaphore_mem>>
      %dma_start3A_38 = arith.constant 0 : i32
      %dma_start3A_39 = tpu.memref_slice %arg3[%add3A, %dma_start3A_38] : memref<32x16xi32, #tpu.memory_space<hbm>> -> memref<1x16xi32, #tpu.memory_space<hbm>>
      %dma_start3A_40 = tpu.memref_squeeze %dma_start3A_39 : memref<1x16xi32, #tpu.memory_space<hbm>> -> memref<16xi32, #tpu.memory_space<hbm>>
      %dma_start3A_41 = arith.constant 0 : i32
      %dma_start3A_42 = tpu.memref_slice %arg3[%add3A, %dma_start3A_41] : memref<32x16xi32, #tpu.memory_space<hbm>> -> memref<1x16xi32, #tpu.memory_space<hbm>>
      %dma_start3A_43 = tpu.memref_squeeze %dma_start3A_42 : memref<1x16xi32, #tpu.memory_space<hbm>> -> memref<16xi32, #tpu.memory_space<hbm>>
      tpu.enqueue_dma source(%arg6 : memref<16xi32, #tpu.memory_space<vmem>>) target(%dma_start3A_43 : memref<16xi32, #tpu.memory_space<hbm>>) target_semaphore(%run_scoped3A : memref<!tpu.dma_semaphore, #tpu.memory_space<semaphore_mem>>)
      %dma_wait3A_44 = arith.constant 0 : i32
      %dma_wait3A_45 = tpu.memref_slice %arg3[%add3A, %dma_wait3A_44] : memref<32x16xi32, #tpu.memory_space<hbm>> -> memref<1x16xi32, #tpu.memory_space<hbm>>
      %dma_wait3A_46 = tpu.memref_squeeze %dma_wait3A_45 : memref<1x16xi32, #tpu.memory_space<hbm>> -> memref<16xi32, #tpu.memory_space<hbm>>
      %dma_wait3A_47 = arith.constant 0 : i32
      %dma_wait3A_48 = tpu.memref_slice %arg3[%add3A, %dma_wait3A_47] : memref<32x16xi32, #tpu.memory_space<hbm>> -> memref<1x16xi32, #tpu.memory_space<hbm>>
      %dma_wait3A_49 = tpu.memref_squeeze %dma_wait3A_48 : memref<1x16xi32, #tpu.memory_space<hbm>> -> memref<16xi32, #tpu.memory_space<hbm>>
      tpu.wait_dma2 semaphore(%run_scoped3A : memref<!tpu.dma_semaphore, #tpu.memory_space<semaphore_mem>>) src(%arg6 : memref<16xi32, #tpu.memory_space<vmem>>) dst(%dma_wait3A_49 : memref<16xi32, #tpu.memory_space<hbm>>)
      tpu.yield
    }) : () -> ()
    return
  }
}

module attributes {stable_mosaic.version = 14 : i64} {
  func.func @_combine_body(%arg0: memref<32x16xi32, #tpu.memory_space<vmem>>, %arg1: memref<1x1xi32, #tpu.memory_space<smem>>, %arg2: memref<1x1xi32, #tpu.memory_space<smem>>) attributes {dimension_semantics = [], scalar_prefetch = 0 : i64, scratch_operands = 0 : i64, tpu.core_type = #tpu.core_type<tc>} {
    %get3A = arith.constant 0 : index
    %get3A_0 = arith.constant 0 : index
    %get3A_1 = vector.load %arg0[%get3A, %get3A_0] : memref<32x16xi32, #tpu.memory_space<vmem>>, vector<32x16xi32>
    %reduce_max3A = vector.shape_cast %get3A_1 : vector<32x16xi32> to vector<1x32x16xi32>
    %reduce_max3A_2 = arith.constant dense<-2147483648> : vector<1xi32>
    %reduce_max3A_3 = vector.multi_reduction <maxsi>, %reduce_max3A, %reduce_max3A_2 [1, 2] : vector<1x32x16xi32> to vector<1xi32>
    %reduce_max3A_4 = vector.shape_cast %reduce_max3A_3 : vector<1xi32> to vector<1x1x1xi32>
    %reduce_max3A_5 = vector.extract %reduce_max3A_4[0, 0, 0] : i32 from vector<1x1x1xi32>
    %get3A_6 = arith.constant 0 : index
    %get3A_7 = arith.constant 0 : index
    %get3A_8 = memref.load %arg1[%get3A_6, %get3A_7] : memref<1x1xi32, #tpu.memory_space<smem>>
    %max3A = arith.maxsi %reduce_max3A_5, %get3A_8 : i32
    %le3A = arith.constant 2139095040 : i32
    %le3A_9 = arith.cmpi sle, %max3A, %le3A : i32
    %jit3A = arith.constant 1 : i32
    %jit3A_10 = arith.constant 0 : i32
    %select_n3A = arith.select %le3A_9, %jit3A, %jit3A_10 : i32
    %swap3A = arith.constant 0 : index
    %swap3A_11 = arith.constant 0 : index
    %swap3A_12 = memref.load %arg2[%swap3A, %swap3A_11] : memref<1x1xi32, #tpu.memory_space<smem>>
    memref.store %select_n3A, %arg2[%swap3A, %swap3A_11] : memref<1x1xi32, #tpu.memory_space<smem>>
    return
  }
}

module attributes {stable_mosaic.version = 14 : i64} {
  func.func @_tc_body(%arg0: i32, %arg1: memref<1x32x65536xf32, #tpu.memory_space<vmem>>, %arg2: memref<1x1xi32, #tpu.memory_space<smem>>, %arg3: memref<1xi32, #tpu.memory_space<smem>>) attributes {dimension_semantics = [#tpu.dimension_semantics<arbitrary>], iteration_bounds = array<i64: 7>, scalar_prefetch = 0 : i64, scratch_operands = 1 : i64, tpu.core_type = #tpu.core_type<tc>, window_params = [{transform_indices = @transform_0, window_bounds = array<i64: 1, 32, 65536>}, {transform_indices = @transform_1, window_bounds = array<i64: 1, 1>}]} {
    %get3A = arith.constant 0 : index
    %get3A_0 = arith.constant 0 : index
    %get3A_1 = arith.constant 0 : index
    %get3A_2 = vector.load %arg1[%get3A, %get3A_0, %get3A_1] : memref<1x32x65536xf32, #tpu.memory_space<vmem>>, vector<1x32x65536xf32>
    %bitcast_convert_type3A = tpu.bitcast %get3A_2 : vector<1x32x65536xf32> -> vector<1x32x65536xi32>
    %and3A = arith.constant 2147483647 : i32
    %and3A_3 = vector.broadcast %and3A : i32 to vector<1x32x65536xi32>
    %and3A_4 = arith.andi %bitcast_convert_type3A, %and3A_3 : vector<1x32x65536xi32>
    %reduce_max3A = vector.shape_cast %and3A_4 : vector<1x32x65536xi32> to vector<1x1x32x65536xi32>
    %reduce_max3A_5 = arith.constant dense<-2147483648> : vector<1xi32>
    %reduce_max3A_6 = vector.multi_reduction <maxsi>, %reduce_max3A, %reduce_max3A_5 [1, 2, 3] : vector<1x1x32x65536xi32> to vector<1xi32>
    %reduce_max3A_7 = vector.shape_cast %reduce_max3A_6 : vector<1xi32> to vector<1x1x1x1xi32>
    %reduce_max3A_8 = vector.extract %reduce_max3A_7[0, 0, 0, 0] : i32 from vector<1x1x1x1xi32>
    %eq3A = arith.constant 0 : i32
    %eq3A_9 = arith.cmpi eq, %arg0, %eq3A : i32
    %convert_element_type3A = arith.extui %eq3A_9 : i1 to i32
    %cond3A = arith.constant 0 : i32
    %cond3A_10 = arith.cmpi ne, %convert_element_type3A, %cond3A : i32
    scf.if %cond3A_10 {
      %swap3A = arith.constant 0 : index
      %swap3A_20 = memref.load %arg3[%swap3A] : memref<1xi32, #tpu.memory_space<smem>>
      memref.store %reduce_max3A_8, %arg3[%swap3A] : memref<1xi32, #tpu.memory_space<smem>>
    } else {
    }
    %gt3A = arith.constant 0 : i32
    %gt3A_11 = arith.cmpi sgt, %arg0, %gt3A : i32
    %convert_element_type3A_12 = arith.extui %gt3A_11 : i1 to i32
    %cond3A_13 = arith.constant 0 : i32
    %cond3A_14 = arith.cmpi ne, %convert_element_type3A_12, %cond3A_13 : i32
    scf.if %cond3A_14 {
      %get3A_20 = arith.constant 0 : index
      %get3A_21 = memref.load %arg3[%get3A_20] : memref<1xi32, #tpu.memory_space<smem>>
      %max3A = arith.maxsi %get3A_21, %reduce_max3A_8 : i32
      %swap3A = arith.constant 0 : index
      %swap3A_22 = memref.load %arg3[%swap3A] : memref<1xi32, #tpu.memory_space<smem>>
      memref.store %max3A, %arg3[%swap3A] : memref<1xi32, #tpu.memory_space<smem>>
    } else {
    }
    %eq3A_15 = arith.constant 6 : i32
    %eq3A_16 = arith.cmpi eq, %arg0, %eq3A_15 : i32
    %convert_element_type3A_17 = arith.extui %eq3A_16 : i1 to i32
    %cond3A_18 = arith.constant 0 : i32
    %cond3A_19 = arith.cmpi ne, %convert_element_type3A_17, %cond3A_18 : i32
    scf.if %cond3A_19 {
      %get3A_20 = arith.constant 0 : index
      %get3A_21 = memref.load %arg3[%get3A_20] : memref<1xi32, #tpu.memory_space<smem>>
      %swap3A = arith.constant 0 : index
      %swap3A_22 = arith.constant 0 : index
      %swap3A_23 = memref.load %arg2[%swap3A, %swap3A_22] : memref<1x1xi32, #tpu.memory_space<smem>>
      memref.store %get3A_21, %arg2[%swap3A, %swap3A_22] : memref<1x1xi32, #tpu.memory_space<smem>>
    } else {
    }
    return
  }
  func.func @transform_0(%arg0: i32) -> (i32, i32, i32) {
    %c0_i32 = arith.constant 0 : i32
    %c0_i32_0 = arith.constant 0 : i32
    %c0_i32_1 = arith.constant 0 : i32
    return %arg0, %c0_i32, %c0_i32_0 : i32, i32, i32
  }
  func.func @transform_1(%arg0: i32) -> (i32, i32) {
    %c0_i32 = arith.constant 0 : i32
    %c0_i32_0 = arith.constant 0 : i32
    %c0_i32_1 = arith.constant 0 : i32
    return %c0_i32, %c0_i32_0 : i32, i32
  }
}

</mosaic_0001>

<sc_bundles>
// kernel: kernel.5.cloned.1.call-start
scs
__scs_entry_jumppad:
0x0: {  	(pc) =	sbr.rel $0x88, $3  }
0x1: {  	(tag) =	ssettag $0x0;
	lr =	simm.s32 $0x1  }
0x2: {  	[smem:$0x3FA0] =	sst lr;
	_ =	strace $0xD0000000  }
0x3: {  	_ = 	snop  }
0x4: {  	_ = 	snop  }
0x5: {  	_ = 	snop  }
0x6: {  	_ = 	snop  }
0x7: {  	_ = 	snop  }
__scs_overlays_trampoline_lowered:
0x8: {  	[smem:$0x3FAF] =	sst s0  }
0x9: {  	[smem:$0x3FB0] =	sst s1  }
0xa: {  	[smem:$0x3FB1] =	sst s2  }
0xb: {  	[smem:$0x3FB2] =	sst s3  }
0xc: {  	[smem:$0x3FB3] =	sst s4  }
0xd: {  	[smem:$0x3FB4] =	sst s5  }
0xe: {  	[smem:$0x3FB5] =	sst s6  }
0xf: {  	[smem:$0x3FB6] =	sst s7  }
0x10: {  	[smem:$0x3FB7] =	sst s8  }
0x11: {  	[smem:$0x3FB8] =	sst s9;
	s0 =	simm.s32 @!p0 $0x0  }
0x12: {  	s1 =	sld [smem:$0x3F9E];
	s0 =	simm.s32 @p0 $0x1  }
0x13: {  	[smem:$0x3FB9] =	sst s0;
	s0 =	simm.s32 @!p1 $0x0  }
0x14: {  	s2 =	sld [smem:$0x3F9D];
	s0 =	simm.s32 @p1 $0x1  }
0x15: {  	[smem:$0x3FBA] =	sst s0;
	s0 =	simm.s32 @!p2 $0x0  }
0x16: {  	s3 =	sld [smem:$0x3FDB];
	s0 =	simm.s32 @p2 $0x1  }
0x17: {  	s4 =	simm.s32 $0x1BF5;
	[smem:$0x3FBC] =	sst s0  }
0x18: {  	s0 =	sld [smem:$0x3F9F];
	_ =	swait.ge [sflag:s4], $0x0  }
0x19: {  	s7 =	sld [smem:$0x3FA0]  }
0x1a: {  	s8 =	sadd.s32 $0xFFFFE003, lr  }
0x1b: {  	s9 =	sadd.s32 $0xFFFFFEF7, lr;
	s5 =	simm.s32 $0xFFFFFFFF;
	p2 =	slt.u32 s8, $0xFFFFF086  }
0x1c: {  	p1 =	slt.u32 s9, $0xF7A;
	s5 =	simm.s32 @!p2 $0x0  }
0x1d: {  	s5 =	simm.s32 @p1 $0x1;
	p0 =	seq.s32 s7, s2  }
0x1e: {  	s7 =	smul.u32 @!p0 $0xF7A, s2;
	p2 =	seq.s32 @!p0 s5, $0x0  }
0x1f: {  	s9 =	smul.u32 $0xF7A, s1;
	s8 =	simm.s32 @!p0 $0x1BF5;
	p2 =	por !p2, p0  }
0x20: {  	[sflag:s8] =	ssyncset.s32 @!p0 $0xFFFFF086;
	s6 =	sadd.s32 @!p0 s3, s7;
	s7 =	simm.s32 @!p0 $0x108  }
0x21: {  	s3 =	sadd.s32 s3, s9;
	s6 =	sadd.s32 @!p0 $0x88, s6;
	s7 =	simm.s32 @p2 $0x1082  }
0x22: {  	[simem:s7], [sflag:s8] =	dma.local @!p0 [hbm:s6], $0xF7A  }
0x23: {  	s9 =	sor.u32 $0xD0000000, s2;
	s6 =	simm.s32 $0x108;
	_ =	swait.ge @!p0 [sflag:s8], $0x0  }
0x24: {  	s3 =	sadd.s32 $0x88, s3;
	s6 =	simm.s32 @!p1 $0x1082;
	[sflag:s4] =	ssyncset.s32 $0xFFFFF086  }
0x25: {  	[simem:s6], [sflag:s4] =	dma.local [hbm:s3], $0xF7A  }
0x26: {  	[smem:$0x3FA0] =	sst s1;
	(tag) =	ssettag s2;
	_ =	strace s9  }
0x27: {  	s1 =	sld [smem:$0x3FB0]  }
0x28: {  	s2 =	sld [smem:$0x3FB1]  }
0x29: {  	s4 =	sld [smem:$0x3FB3]  }
0x2a: {  	p0 =	seq.s32 s5, $0x0;
	s5 =	sld [smem:$0x3FB4]  }
0x2b: {  	s6 =	sld [smem:$0x3FB5]  }
0x2c: {  	s7 =	sld [smem:$0x3FB6]  }
0x2d: {  	s3 =	simm.s32 $0x108;
	s8 =	sld [smem:$0x3FB7]  }
0x2e: {  	s3 =	simm.s32 @!p0 $0x1082;
	s9 =	sld [smem:$0x3FB8]  }
0x2f: {  	lr =	sadd.s32 s0, s3;
	s0 =	sld [smem:$0x3FAF]  }
0x30: {  	s3 =	sld [smem:$0x3FB2]  }
0x31: {  	[smem:$0x3FBB] =	sst s10  }
0x32: {  	s10 =	sld [smem:$0x3FB9];
	_ =	sdelay $0x3  }
0x33: {  	p0 =	seq.s32 s10, $0x1;
	s10 =	sld [smem:$0x3FBB];
	_ =	sdelay $0x3  }
0x34: {  	[smem:$0x3FBB] =	sst s10  }
0x35: {  	s10 =	sld [smem:$0x3FBA];
	_ =	sdelay $0x3  }
0x36: {  	p1 =	seq.s32 s10, $0x1;
	s10 =	sld [smem:$0x3FBB];
	_ =	sdelay $0x3  }
0x37: {  	[smem:$0x3FBB] =	sst s10  }
0x38: {  	s10 =	sld [smem:$0x3FBC]  }
0x39: {  	_ = 	snop;
	(pc) =	sbr.ind lr, $3  }
0x3a: {  	_ = 	snop  }
0x3b: {  	_ = 	snop  }
0x3c: {  	p2 =	seq.s32 s10, $0x1;
	s10 =	sld [smem:$0x3FBB]  }
0x3d: {  	_ =	shalt  }
0x3e: {  	_ =	shalt  }
0x3f: {  	_ =	shalt  }
0x40: {  	_ =	shalt  }
0x41: {  	_ =	shalt  }
0x42: {  	_ =	shalt  }
0x43: {  	_ =	shalt  }
0x44: {  	_ =	shalt  }
0x45: {  	_ =	shalt  }
0x46: {  	_ =	shalt  }
0x47: {  	_ =	shalt  }
0x48: {  	_ =	shalt  }
0x49: {  	_ =	shalt  }
0x4a: {  	_ =	shalt  }
0x4b: {  	_ =	shalt  }
0x4c: {  	_ =	shalt  }
0x4d: {  	_ =	shalt  }
0x4e: {  	_ =	shalt  }
0x4f: {  	_ =	shalt  }
0x50: {  	_ =	shalt  }
0x51: {  	_ =	shalt  }
0x52: {  	_ =	shalt  }
0x53: {  	_ =	shalt  }
0x54: {  	_ =	shalt  }
0x55: {  	_ =	shalt  }
0x56: {  	_ =	shalt  }
0x57: {  	_ =	shalt  }
0x58: {  	_ =	shalt  }
0x59: {  	_ =	shalt  }
0x5a: {  	_ =	shalt  }
0x5b: {  	_ =	shalt  }
0x5c: {  	_ =	shalt  }
0x5d: {  	_ =	shalt  }
0x5e: {  	_ =	shalt  }
0x5f: {  	_ =	shalt  }
0x60: {  	_ =	shalt  }
0x61: {  	_ =	shalt  }
0x62: {  	_ =	shalt  }
0x63: {  	_ =	shalt  }
0x64: {  	_ =	shalt  }
0x65: {  	_ =	shalt  }
0x66: {  	_ =	shalt  }
0x67: {  	_ =	shalt  }
0x68: {  	_ =	shalt  }
0x69: {  	_ =	shalt  }
0x6a: {  	_ =	shalt  }
0x6b: {  	_ =	shalt  }
0x6c: {  	_ =	shalt  }
0x6d: {  	_ =	shalt  }
0x6e: {  	_ =	shalt  }
0x6f: {  	_ =	shalt  }
0x70: {  	_ =	shalt  }
0x71: {  	_ =	shalt  }
0x72: {  	_ =	shalt  }
0x73: {  	_ =	shalt  }
0x74: {  	_ =	shalt  }
0x75: {  	_ =	shalt  }
0x76: {  	_ =	shalt  }
0x77: {  	_ =	shalt  }
0x78: {  	_ =	shalt  }
0x79: {  	_ =	shalt  }
0x7a: {  	_ =	shalt  }
0x7b: {  	_ =	shalt  }
0x7c: {  	_ =	shalt  }
0x7d: {  	_ =	shalt  }
0x7e: {  	_ =	shalt  }
0x7f: {  	_ =	shalt  }
0x80: {  	_ =	shalt  }
0x81: {  	_ =	shalt  }
0x82: {  	_ =	shalt  }
0x83: {  	_ =	shalt  }
0x84: {  	_ =	shalt  }
0x85: {  	_ =	shalt  }
0x86: {  	_ =	shalt  }
0x87: {  	_ =	shalt  }
.Lfunc_end0:
.L_simem_size_0:
called_computation.1_lowered:
.L_overlay_start_0:
0x88: {  	s2 =	sld [smem:$0x3FD9]  }
0x89: {  	s3 =	sld [smem:$0x3FFE];
	_ =	sdelay $0x1  }
0x8a: {  	s1 =	srdreg.scid  }
0x8b: {  	s0 =	sand.u32 $0x1, s1  }
0x8c: {  	s16 =	sshll.u32 s0, $0xA;
	s2 =	sadd.s32 s3, s2  }
0x8d: {  	s2 =	sadd.s32 s2, s16  }
0x8e: {  	[smem:$0x3FC7] =	sst s2  }
0x8f: {  	_ = 	snop  }
0x90: {  	(tm) =	ssettm $0x1  }
0x91: {  	s17 =	sld [smem:$0x3FFB];
	_ =	sdelay $0x3  }
0x92: {  	_ =	strace s17  }
0x93: {  	s2 =	sld [smem:$0x3FFC];
	_ =	sdelay $0x3  }
0x94: {  	_ =	strace s2  }
0x95: {  	s2 =	sld [smem:$0x3FFD];
	_ =	sdelay $0x3  }
0x96: {  	_ =	strace s2  }
0x97: {  	_ =	strace $0x8FFFFFFF  }
0x98: {  	s18 =	sld [smem:$0x3FDB];
	_ =	sdelay $0x1  }
0x99: {  	s19 =	simm.s32 $_scs_section_size  }
0x9a: {  	s4 =	simm.s32 $_size__tile_overlayer_lowered;
	s5 =	simm.s32 $_tile_overlayer_lowered  }
0x9b: {  	s22 =	simm.s32 $0x1BFF;
	s21 =	sshll.u32 s5, $0x1;
	s2 =	sadd.s32 s19, s18  }
0x9c: {  	s6 =	simm.s32 $0x0;
	s20 =	sshll.u32 s4, $0x1;
	s4 =	sadd.s32 s21, s2  }
0x9d: {  	[timem:s6], [sflag:s22] =	dma.local [hbm:s4], s20  }
0x9e: {  	_ =	swait.ge [sflag:s22], s20  }
0x9f: {  	s3 =	ssub.s32 $0x0, s20;
	[sflag:s22] =	ssyncset.done $0x0  }
0xa0: {  	[sflag:s22] =	ssyncadd.s32 s3;
	_ =	sdelay $0x1  }
0xa1: {  	s23 =	simm.s32 $0x1B8B  }
0xa2: {  	_ =	swait.ge [sflag:s23], $0x1  }
0xa3: {  	[sflag:s23] =	ssyncset.done $0x0  }
0xa4: {  	s25 =	simm.s32 $0x1B8E;
	s24 =	sld [smem:$0x3FFE];
	[sflag:s23] =	ssyncadd.s32 $0xFFFFFFFF  }
0xa5: {  	s26 =	simm.s32 $execute0_lowered;
	[smem:$0x3FD2] =	sst s25  }
0xa6: {  	s4 =	sshll.u32 s26, $0x1;
	_ =	strace $0x80000049;
	[dreg:$0x1] =	wrdreg $0xFFFFFFFF  }
0xa7: {  	s28 =	simm.s32 $_size_execute0_lowered;
	s2 =	sadd.s32 s2, s4;
	[dreg:$0x0] =	wrdreg $0x0  }
0xa8: {  	s4 =	sshll.u32 s28, $0x1;
	[dreg:$0x2] =	wrdreg s2  }
0xa9: {  	[dreg:$0x3] =	wrdreg s4  }
0xaa: {  	[dreg:$0x4] =	wrdreg $0xC0  }
0xab: {  	_ =	task [dreg:s6], $0x5FFFF  }
0xac: {  	[dreg:$0x1] =	wrdreg $0xFFFFFFFF  }
0xad: {  	[dreg:$0x0] =	wrdreg $0x60  }
0xae: {  	[dreg:$0x2] =	wrdreg s24  }
0xaf: {  	[dreg:$0x3] =	wrdreg $0x9  }
0xb0: {  	_ =	task.clear_ibuf [dreg:s6], $0x4FFFF;
	_ =	strace $0x90000049  }
0xb1: {  	s29 =	simm.s32 $0x9;
	_ =	strace $0x8000004B  }
0xb2: {  	_ =	swait.ge [sflag:s29], $0x1  }
0xb3: {  	[sflag:s29] =	ssyncadd.s32 $0xFFFFFFFF  }
0xb4: {  	_ =	strace $0x9000004B  }
0xb5: {  	_ =	sfence  }
0xb6: {  	s30 =	sld [smem:$0x0];
	_ =	sdelay $0x2  }
0xb7: {  	s31 =	sshll.u32 s1, $0xD;
	s1 =	sshrl.u32 s1, $0x2  }
0xb8: {  	s3 =	sand.u32 $0x4000, s31;
	s1 =	sadd.s32 s1, s30  }
0xb9: {  	s0 =	sor.u32 s3, s0;
	s1 =	sshll.u32 s1, $0x11  }
0xba: {  	s0 =	sor.u32 s1, s0  }
0xbb: {  	s0 =	sadd.s32 $0x8F2B, s0  }
0xbc: {  	[sflag:s0] =	ssyncadd.remote.s32 $0x1  }
0xbd: {  	_ =	sfence.sel $0xFFFF  }
0xbe: {  	[dreg:$0x0] =	wrdreg $0xFFFFFFFF;
	(pc) =	sbr.abs _section_cstart, $3  }
0xbf: {  	[dreg:$0x1] =	wrdreg $0xFFFFFFFF  }
0xc0: {  	_ =	task.clear_ibuf [dreg:s6], $0x2FFFF;
	_ =	strace $0x9FFFFFFF  }
0xc1: {  	(tm) =	ssettm $0x7FFFFFFF  }
tec
execute0_lowered:
.L_overlay_start_1:
0x0: {  	(tag) =	ssettag $0x1  }
0x1: {  	s3 =	rddreg [dreg:$0x0]  }
0x2: {  	s0 =	rddreg [dreg:$0x1];
	s4 =	srdreg.scid  }
0x3: {  	s1 =	stileid.u32;
	s2 =	simm.s32 $0x0;
	s8 =	simm.s32 $0x1  }
0x4: {  	s9 =	simm.s32 $0x2;
	s10 =	simm.s32 $0x10000;
	s11 =	simm.s32 $0x3  }
0x5: {  	s4 =	sand.u32 $0x1, s4;
	s5 =	sshll.u32 s1, $0x1;
	[smem:$0x7FF] =	sst s2  }
0x6: {  	s12 =	simm.s32 $0x0;
	s5 =	sor.u32 s4, s5;
	_ =	strace $0x8000004A  }
0x7: {  	s4 =	ssub.s32 $0x2, s4;
	s6 =	sshll.u32 s5, $0xD;
	s5 =	sshll.u32 s5, $0x4  }
0x8: {  	s7 =	sshrl.u32 s4, $0x1;
	s6 =	sadd.s32 s6, s3;
	s5 =	sadd.s32 s5, s3  }
0x9: {  	s7 =	ssub.s32 s4, s7;
	s3 =	sadd.s32 $0x1C0A00, s6;
	s4 =	sadd.s32 $0x1C1A00, s6  }
0xa: {  	s5 =	sadd.s32 $0x200A00, s5;
	s6 =	smax.u32 s7, $0x1;
	s7 =	simm.s32 $0x8000  }
.LBB2_1:
0xb: {  	[tilespmem:s2], [sflag:$0x1] =	stream.linear.gather [hbm4b:s3+s2], $0x8000, $0x38;
	[tilespmem:$0x10080] =	vst v63  }
0xc: {  	_ = 	snop  }
0xd: {  	[tilespmem:s7], [sflag:$0x2] =	stream.linear.gather [hbm4b:s4+s2], $0x8000, $0x38;
	[tilespmem:$0x10080] =	vst v63  }
0xe: {  	_ =	swait.ge [sflag:s8], $0x8000  }
0xf: {  	[sflag:s8] =	ssyncset.done $0x0  }
0x10: {  	s14 =	simm.s32 $0x0;
	[sflag:s8] =	ssyncadd.s32 $0xFFFF8000  }
0x11: {  	v0 =	vld [tilespmem:s14+$0x40]  }
0x12: {  	v1 =	vld [tilespmem:s14+$0x50]  }
0x13: {  	v2 =	vld [tilespmem:s14+$0x60]  }
0x14: {  	v3 =	vld [tilespmem:s14+$0x70]  }
0x15: {  	v5 =	vld [tilespmem:s14+$0x0]  }
0x16: {  	v9 =	vld [tilespmem:s14+$0x10]  }
0x17: {  	v11 =	vld [tilespmem:s14+$0x20]  }
0x18: {  	v12 =	vld [tilespmem:s14+$0x30]  }
0x19: {  	s13 =	simm.s32 $0x80  }
0x1a: {  	v4 =	vld [tilespmem:s13+$0x40]  }
0x1b: {  	v14 =	vimm.s32 $0x0;
	v8 =	vld [tilespmem:s13+$0x50];
	v5 =	vand.u32 $0x7FFFFFFF, v5;
	v13 =	vand.u32 $0x7FFFFFFF, v0  }
0x1c: {  	v0 =	vld [tilespmem:s13+$0x60];
	v7 =	vand.u32 $0x7FFFFFFF, v1;
	v6 =	vand.u32 $0x7FFFFFFF, v2;
	v15 =	vand.u32 $0x7FFFFFFF, v9  }
0x1d: {  	v1 =	vld [tilespmem:s13+$0x70];
	v10 =	vand.u32 $0x7FFFFFFF, v3;
	v11 =	vand.u32 $0x7FFFFFFF, v11;
	v12 =	vand.u32 $0x7FFFFFFF, v12  }
0x1e: {  	v9 =	vld [tilespmem:s13+$0x0];
	vm0 =	vgt.s32 v14, v5;
	vm15 =	vgt.s32 v14, v15;
	vm1 =	vgt.s32 v14, v11  }
0x1f: {  	v3 =	vld [tilespmem:s13+$0x10];
	vm2 =	vgt.s32 v14, v12;
	v2 =	vsel vm0, v14, v5;
	v11 =	vsel vm1, v14, v11  }
0x20: {  	s14 =	simm.s32 $0x400;
	v5 =	vld [tilespmem:s13+$0x20];
	v12 =	vsel vm2, v14, v12;
	v2 =	vmax.u32 v2, v13;
	v13 =	vsel vm15, v14, v15  }
.LBB2_2:
0x21: {  	p0 =	sne.s32 s14, $0x1FE00;
	v14 =	vld [tilespmem:s13+$0x30];
	s13 =	sshra.s32 s14, $0x2;
	v13 =	vmax.u32 v13, v7;
	v11 =	vmax.u32 v11, v6;
	v12 =	vmax.u32 v12, v10  }
0x22: {  	v15 =	vld [tilespmem:s13+$0x40]  }
0x23: {  	v4 =	vand.u32 $0x7FFFFFFF, v4;
	v16 =	vld [tilespmem:s13+$0x50];
	v9 =	vand.u32 $0x7FFFFFFF, v9  }
.Ltmp0:
0x24: {  	v7 =	vand.u32 $0x7FFFFFFF, v8;
	v6 =	vand.u32 $0x7FFFFFFF, v0;
	vm0 =	vgt.s32 v2, v9;
	v0 =	vld [tilespmem:s13+$0x60];
	(pc) =	sbr.rel @p0 .LBB2_2-.Ltmp0, $4  }
0x25: {  	v10 =	vand.u32 $0x7FFFFFFF, v1;
	v8 =	vand.u32 $0x7FFFFFFF, v3;
	v2 =	vsel vm0, v2, v9;
	v1 =	vld [tilespmem:s13+$0x70]  }
0x26: {  	v17 =	vand.u32 $0x7FFFFFFF, v5;
	v9 =	vld [tilespmem:s13+$0x0];
	v14 =	vand.u32 $0x7FFFFFFF, v14;
	v2 =	vmax.u32 v2, v4  }
0x27: {  	vm0 =	vgt.s32 v13, v8;
	vm1 =	vgt.s32 v11, v17;
	v3 =	vld [tilespmem:s13+$0x10];
	vm2 =	vgt.s32 v12, v14;
	v4 =	vmovc v15  }
0x28: {  	s14 =	sadd.s32 $0x200, s14;
	v13 =	vsel vm0, v13, v8;
	v11 =	vsel vm1, v11, v17;
	v5 =	vld [tilespmem:s13+$0x20];
	v12 =	vsel vm2, v12, v14;
	v8 =	vmovc v16  }
0x29: {  	v14 =	vld [tilespmem:s13+$0x30];
	_ =	swait.ge [sflag:s9], $0x8000  }
0x2a: {  	[sflag:s9] =	ssyncset.done $0x0  }
0x2b: {  	s14 =	simm.s32 $0x0;
	[sflag:s9] =	ssyncadd.s32 $0xFFFF8000  }
0x2c: {  	v15 =	vld [tilespmem:s14+$0x8040]  }
0x2d: {  	v7 =	vmax.u32 v13, v7;
	v13 =	vld [tilespmem:s14+$0x8050]  }
0x2e: {  	v6 =	vmax.u32 v11, v6;
	v10 =	vmax.u32 v12, v10;
	v4 =	vand.u32 $0x7FFFFFFF, v4;
	v11 =	vld [tilespmem:s14+$0x8060]  }
0x2f: {  	v8 =	vand.u32 $0x7FFFFFFF, v8;
	v0 =	vand.u32 $0x7FFFFFFF, v0;
	v9 =	vand.u32 $0x7FFFFFFF, v9;
	v12 =	vld [tilespmem:s14+$0x8070]  }
0x30: {  	v1 =	vand.u32 $0x7FFFFFFF, v1;
	vm0 =	vgt.s32 v2, v9;
	v3 =	vand.u32 $0x7FFFFFFF, v3;
	v16 =	vld [tilespmem:s14+$0x8010]  }
0x31: {  	v2 =	vsel vm0, v2, v9;
	v9 =	vld [tilespmem:s14+$0x8000];
	v5 =	vand.u32 $0x7FFFFFFF, v5;
	vm11 =	vgt.s32 v7, v3  }
0x32: {  	v14 =	vand.u32 $0x7FFFFFFF, v14;
	v2 =	vmax.u32 v2, v4;
	vm1 =	vgt.s32 v6, v5;
	v4 =	vld [tilespmem:s14+$0x8020]  }
0x33: {  	s13 =	simm.s32 $0x80;
	v3 =	vsel vm11, v7, v3;
	v7 =	vld [tilespmem:s14+$0x8030];
	vm2 =	vgt.s32 v10, v14;
	v5 =	vsel vm1, v6, v5  }
0x34: {  	v6 =	vsel vm2, v10, v14;
	v14 =	vmax.u32 v3, v8;
	v17 =	vmax.u32 v5, v0;
	v3 =	vld [tilespmem:s13+$0x8040]  }
0x35: {  	v8 =	vld [tilespmem:s13+$0x8050];
	v18 =	vmax.u32 v6, v1;
	v15 =	vand.u32 $0x7FFFFFFF, v15;
	v5 =	vand.u32 $0x7FFFFFFF, v13  }
0x36: {  	v0 =	vld [tilespmem:s13+$0x8060];
	v6 =	vand.u32 $0x7FFFFFFF, v11;
	v11 =	vand.u32 $0x7FFFFFFF, v16;
	v9 =	vand.u32 $0x7FFFFFFF, v9  }
0x37: {  	v1 =	vld [tilespmem:s13+$0x8070];
	v10 =	vand.u32 $0x7FFFFFFF, v12;
	vm13 =	vgt.s32 v14, v11;
	vm12 =	vgt.s32 v2, v9  }
0x38: {  	v12 =	vand.u32 $0x7FFFFFFF, v4;
	v13 =	vand.u32 $0x7FFFFFFF, v7;
	v2 =	vsel vm12, v2, v9;
	v9 =	vld [tilespmem:s13+$0x8000]  }
0x39: {  	v4 =	vld [tilespmem:s13+$0x8010];
	v11 =	vsel vm13, v14, v11;
	vm14 =	vgt.s32 v17, v12;
	vm15 =	vgt.s32 v18, v13  }
0x3a: {  	s14 =	simm.s32 $0x400;
	v7 =	vld [tilespmem:s13+$0x8020];
	v2 =	vmax.u32 v2, v15;
	v12 =	vsel vm14, v17, v12;
	v13 =	vsel vm15, v18, v13  }
.LBB2_4:
0x3b: {  	p0 =	sne.s32 s14, $0x1FE00;
	v14 =	vld [tilespmem:s13+$0x8030];
	s13 =	sshra.s32 s14, $0x2;
	v11 =	vmax.u32 v11, v5;
	v12 =	vmax.u32 v12, v6;
	v13 =	vmax.u32 v13, v10  }
0x3c: {  	v15 =	vld [tilespmem:s13+$0x8040]  }
0x3d: {  	v3 =	vand.u32 $0x7FFFFFFF, v3;
	v16 =	vld [tilespmem:s13+$0x8050];
	v9 =	vand.u32 $0x7FFFFFFF, v9  }
.Ltmp1:
0x3e: {  	v5 =	vand.u32 $0x7FFFFFFF, v8;
	v6 =	vand.u32 $0x7FFFFFFF, v0;
	vm0 =	vgt.s32 v2, v9;
	v0 =	vld [tilespmem:s13+$0x8060];
	(pc) =	sbr.rel @p0 .LBB2_4-.Ltmp1, $4  }
0x3f: {  	v10 =	vand.u32 $0x7FFFFFFF, v1;
	v8 =	vand.u32 $0x7FFFFFFF, v4;
	v2 =	vsel vm0, v2, v9;
	v1 =	vld [tilespmem:s13+$0x8070]  }
0x40: {  	v17 =	vand.u32 $0x7FFFFFFF, v7;
	v9 =	vld [tilespmem:s13+$0x8000];
	v14 =	vand.u32 $0x7FFFFFFF, v14;
	v2 =	vmax.u32 v2, v3  }
0x41: {  	vm0 =	vgt.s32 v11, v8;
	vm1 =	vgt.s32 v12, v17;
	v4 =	vld [tilespmem:s13+$0x8010];
	vm2 =	vgt.s32 v13, v14;
	v3 =	vmovc v15  }
0x42: {  	s14 =	sadd.s32 $0x200, s14;
	v11 =	vsel vm0, v11, v8;
	v12 =	vsel vm1, v12, v17;
	v7 =	vld [tilespmem:s13+$0x8020];
	v13 =	vsel vm2, v13, v14;
	v8 =	vmovc v16  }
0x43: {  	v14 =	vld [tilespmem:s13+$0x8030]  }
0x44: {  	v5 =	vmax.u32 v11, v5;
	v6 =	vmax.u32 v12, v6  }
0x45: {  	v10 =	vmax.u32 v13, v10;
	v3 =	vand.u32 $0x7FFFFFFF, v3;
	v9 =	vand.u32 $0x7FFFFFFF, v9  }
0x46: {  	v8 =	vand.u32 $0x7FFFFFFF, v8;
	v0 =	vand.u32 $0x7FFFFFFF, v0;
	vm0 =	vgt.s32 v2, v9  }
0x47: {  	v1 =	vand.u32 $0x7FFFFFFF, v1;
	v4 =	vand.u32 $0x7FFFFFFF, v4;
	v2 =	vsel vm0, v2, v9  }
0x48: {  	v7 =	vand.u32 $0x7FFFFFFF, v7;
	vm15 =	vgt.s32 v5, v4;
	v60 =	vand.u32 $0x7FFFFFFF, v14  }
0x49: {  	v2 =	vmax.u32 v2, v3;
	vm1 =	vgt.s32 v6, v7;
	vm2 =	vgt.s32 v10, v60  }
0x4a: {  	v61 =	vsel vm15, v5, v4;
	v62 =	vsel vm1, v6, v7;
	v63 =	vsel vm2, v10, v60  }
0x4b: {  	v3 =	vmax.u32 v61, v8;
	v0 =	vmax.u32 v62, v0;
	v1 =	vmax.u32 v63, v1  }
0x4c: {  	s12 =	sadd.s32 $0x1, s12;
	v2 =	vmax.u32 v2, v3;
	v0 =	vmax.u32 v0, v1  }
0x4d: {  	p0 =	sne.s32 s12, s6;
	v0 =	vmax.u32 v2, v0  }
.Ltmp2:
0x4e: {  	[tilespmem:$0x10000] =	vst v0;
	(pc) =	sbr.rel @p0 .LBB2_1-.Ltmp2, $4  }
0x4f: {  	[hbm4b:s5+s2] =	stream.linear.scatter [tilespmem:s10], [sflag:$0x3], $0x80, $0x38;
	[tilespmem:$0x10080] =	vst v63  }
0x50: {  	_ =	swait.ge [sflag:s11], $0x80  }
0x51: {  	[sflag:s11] =	ssyncset.done $0x0  }
0x52: {  	[sflag:s11] =	ssyncadd.s32 $0xFFFFFF80  }
0x53: {  	_ =	sfence.sel $0x180000  }
0x54: {  	[bflag:$0x0] =	sbarrier.arrive $0xFFFF  }
0x55: {  	p0 =	sne.s32 s1, $0x0;
	_ =	strace $0x9000004A  }
0x56: {  	s0 =	sadd.s32 @!p0 $0x100000, s0;
	[bflag:$0x2] =	sbarrier.arrive $0xFFFF  }
0x57: {  	[sflag:s0] =	ssyncadd.tile.s32 @!p0 $0x1;
	_ =	shalt  }
.Lfunc_end2:
_tile_overlayer_lowered:
.L_overlay_start_2:
0x58: {  	(tag) =	ssettag $0x2  }
0x59: {  	s0 =	rddreg [dreg:$0x0];
	s2 =	stileid.u32  }
0x5a: {  	s1 =	rddreg [dreg:$0x1];
	p0 =	sne.s32 s2, $0x0  }
0x5b: {  	s3 =	rddreg [dreg:$0x2];
	[bflag:$0x3] =	sbarrier.arrive $0xFFFF;
	s2 =	simm.s32 @!p0 $0x1C03  }
0x5c: {  	[timem:s3], [sflag:s2] =	dma.local @!p0 [hbm:s0], s1  }
0x5d: {  	s0 =	simm.s32 @!p0 $0x3  }
0x5e: {  	_ =	swait.ge @!p0 [sflag:s0], s1  }
0x5f: {  	s1 =	ssub.s32 @!p0 $0x0, s1;
	[sflag:s0] =	ssyncset.done @!p0 $0x0  }
0x60: {  	[sflag:s0] =	ssyncadd.s32 @!p0 s1  }
0x61: {  	[bflag:$0x3] =	sbarrier.arrive $0xFFFF  }
0x62: {  	_ =	shalt  }

// kernel: sparse-core-data-format-call.cloned.1.call-start
scs
called_computation_lowered:
.L_overlay_start_0:
0x0: {  	s2 =	sld [smem:$0x3FD9]  }
0x1: {  	s3 =	sld [smem:$0x3FFE];
	_ =	sdelay $0x1  }
0x2: {  	s1 =	srdreg.scid  }
0x3: {  	s0 =	sand.u32 $0x1, s1  }
0x4: {  	s18 =	sshll.u32 s0, $0xA;
	s2 =	sadd.s32 s3, s2  }
0x5: {  	s2 =	sadd.s32 s2, s18  }
0x6: {  	[smem:$0x3FC7] =	sst s2  }
0x7: {  	_ = 	snop  }
0x8: {  	s2 =	sld [smem:$0x3FC9];
	(tm) =	ssettm $0x1  }
0x9: {  	s19 =	sld [smem:$0x3FFB];
	_ =	sdelay $0x3  }
0xa: {  	_ =	strace s19  }
0xb: {  	s3 =	sld [smem:$0x3FFC];
	_ =	sdelay $0x3  }
0xc: {  	_ =	strace s3  }
0xd: {  	s3 =	sld [smem:$0x3FFD];
	_ =	sdelay $0x3  }
0xe: {  	_ =	strace s3  }
0xf: {  	_ =	strace $0x8FFFFFFF  }
0x10: {  	s20 =	sld [smem:$0x3FDB];
	_ =	sdelay $0x1  }
0x11: {  	s4 =	simm.s32 $_scs_section_size  }
0x12: {  	s5 =	simm.s32 $_size__tile_overlayer_lowered;
	s6 =	simm.s32 $_tile_overlayer_lowered  }
0x13: {  	s23 =	simm.s32 $0x1BFF;
	s22 =	sshll.u32 s6, $0x1;
	s3 =	sadd.s32 s4, s20  }
0x14: {  	s7 =	simm.s32 $0x0;
	s21 =	sshll.u32 s5, $0x1;
	s5 =	sadd.s32 s22, s3  }
0x15: {  	[timem:s7], [sflag:s23] =	dma.local [hbm:s5], s21  }
0x16: {  	_ =	swait.ge [sflag:s23], s21  }
0x17: {  	s4 =	ssub.s32 $0x0, s21;
	[sflag:s23] =	ssyncset.done $0x0  }
0x18: {  	[sflag:s23] =	ssyncadd.s32 s4;
	_ =	sdelay $0x1  }
0x19: {  	s24 =	simm.s32 $0x1B8B  }
0x1a: {  	_ =	swait.ge [sflag:s24], $0x1  }
0x1b: {  	[sflag:s24] =	ssyncset.done $0x0  }
0x1c: {  	s26 =	simm.s32 $0x1B8E;
	s25 =	sld [smem:$0x3FFE];
	[sflag:s24] =	ssyncadd.s32 $0xFFFFFFFF  }
0x1d: {  	s27 =	simm.s32 $execute0_lowered;
	[smem:$0x3FD2] =	sst s26  }
0x1e: {  	s5 =	sshll.u32 s27, $0x1;
	_ =	strace $0x80000046;
	[dreg:$0x1] =	wrdreg $0xFFFFFFFF  }
0x1f: {  	s28 =	simm.s32 $_size_execute0_lowered;
	s3 =	sadd.s32 s3, s5;
	[dreg:$0x0] =	wrdreg $0x0  }
0x20: {  	s5 =	sshll.u32 s28, $0x1;
	[dreg:$0x2] =	wrdreg s3  }
0x21: {  	[dreg:$0x3] =	wrdreg s5  }
0x22: {  	[dreg:$0x4] =	wrdreg $0xC0  }
0x23: {  	_ =	task [dreg:s7], $0x5FFFF  }
0x24: {  	[dreg:$0x1] =	wrdreg $0xFFFFFFFF  }
0x25: {  	[dreg:$0x0] =	wrdreg $0x60  }
0x26: {  	[dreg:$0x2] =	wrdreg s2  }
0x27: {  	[dreg:$0x3] =	wrdreg s25  }
0x28: {  	[dreg:$0x4] =	wrdreg $0x9  }
0x29: {  	_ =	task.clear_ibuf [dreg:s7], $0x5FFFF;
	_ =	strace $0x90000046  }
0x2a: {  	s29 =	simm.s32 $0x9;
	_ =	strace $0x80000048  }
0x2b: {  	_ =	swait.ge [sflag:s29], $0x1  }
0x2c: {  	[sflag:s29] =	ssyncadd.s32 $0xFFFFFFFF  }
0x2d: {  	_ =	strace $0x90000048  }
0x2e: {  	_ =	sfence  }
0x2f: {  	s30 =	sld [smem:$0x0];
	_ =	sdelay $0x2  }
0x30: {  	s31 =	sshll.u32 s1, $0xD;
	s1 =	sshrl.u32 s1, $0x2  }
0x31: {  	s3 =	sand.u32 $0x4000, s31;
	s1 =	sadd.s32 s1, s30  }
0x32: {  	s0 =	sor.u32 s3, s0;
	s1 =	sshll.u32 s1, $0x11  }
0x33: {  	s0 =	sor.u32 s1, s0  }
0x34: {  	s0 =	sadd.s32 $0x8F2B, s0  }
0x35: {  	[sflag:s0] =	ssyncadd.remote.s32 $0x1  }
0x36: {  	_ =	sfence.sel $0xFFFF  }
0x37: {  	[dreg:$0x0] =	wrdreg $0xFFFFFFFF;
	(pc) =	sbr.abs _section_cstart, $3  }
0x38: {  	[dreg:$0x1] =	wrdreg $0xFFFFFFFF  }
0x39: {  	_ =	task.clear_ibuf [dreg:s7], $0x2FFFF;
	_ =	strace $0x9FFFFFFF  }
0x3a: {  	(tm) =	ssettm $0x7FFFFFFF  }
0x3b: {  	_ =	shalt  }
tec
execute0_lowered:
.L_overlay_start_1:
0x0: {  	(tag) =	ssettag $0x1  }
0x1: {  	s2 =	rddreg [dreg:$0x0]  }
0x2: {  	s1 =	rddreg [dreg:$0x1]  }
0x3: {  	s0 =	rddreg [dreg:$0x2];
	_ =	strace $0x80000047;
	s4 =	srdreg.scid  }
0x4: {  	s6 =	simm.s32 $0x2;
	s11 =	simm.s32 $0x0;
	p0 =	por $0x0, $0x0  }
.Ltmp0:
0x5: {  	s7 =	simm.s32 $0x10000;
	s12 =	simm.s32 $0x0;
	(pc) =	sbr.rel .LBB1_1-.Ltmp0, $4  }
0x6: {  	s9 =	simm.s32 $0x0;
	s3 =	sadd.s32 $0xA00, s1;
	s5 =	sshll.u32 s4, $0x4  }
0x7: {  	s1 =	stileid.u32;
	s4 =	simm.s32 $0x1;
	s5 =	sand.u32 $0x10, s5  }
0x8: {  	s8 =	simm.s32 $0x0;
	[sflag:s4] =	ssyncpa.u1 $0x0;
	s5 =	sor.u32 s1, s5  }
0x9: {  	[sflag:s6] =	ssyncpa.u1 $0x0;
	s6 =	simm.s32 $0x800;
	s10 =	smov.u32 s5  }
.LBB1_7:
0xa: {  	s13 =	sadd.s32 $0x10, s9  }
0xb: {  	s11 =	sadd.s32 $0x20, s10;
	s15 =	smov.u32 s10;
	p2 =	sgt.s32 s13, $0x1FF  }
0xc: {  	p1 =	slt.u32 s8, $0x2;
	s15 =	smov.u32 @p2 s11  }
0xd: {  	s8 =	sadd.s32 $0x1, s8;
	s13 =	simm.s32 @p2 $0x0;
	p2 =	sgt.s32 s15, $0x1F  }
0xe: {  	s15 =	smov.u32 @p2 s5;
	p2 =	sne.s32 s8, $0x22  }
.Ltmp1:
0xf: {  	_ = 	snop;
	(pc) =	sbr.rel @!p2 .LBB1_8-.Ltmp1, $4  }
0x10: {  	s14 =	simm.s32 @!p1 $0x2  }
0x11: {  	s12 =	smov.u32 s10;
	_ =	swait.ge @!p1 [sflag:s14], $0x4000  }
0x12: {  	p0 =	por !p0, !p0;
	s11 =	smov.u32 s9;
	[sflag:s14] =	ssyncset.done @!p1 $0x0  }
0x13: {  	s9 =	smov.u32 s13;
	[sflag:s14] =	ssyncadd.s32 @!p1 $0xFFFFC000;
	s10 =	smov.u32 s15  }
.LBB1_1:
0x14: {  	p1 =	sgt.u32 s8, $0x1F  }
0x15: {  	s13 =	sxor.u32 @!p1 $0xFFFFFFFF, s8;
	s14 =	sshll.u32 @!p1 s10, $0x10  }
0x16: {  	s15 =	sshll.u32 @!p1 s9, $0x7;
	s13 =	sshll.u32 @!p1 s13, $0xE;
	s14 =	sadd.s32 @!p1 s2, s14  }
0x17: {  	s13 =	sand.u32 @!p1 $0x4000, s13;
	s14 =	sadd.s32 @!p1 s15, s14;
	s15 =	simm.s32 @!p1 $0x0  }
0x18: {  	[tilespmem:s13], [sflag:$0x1] =	stream.linear.gather @!p1 [hbm4b:s14+s15], $0x4000, $0x38;
	[tilespmem:$0x10000] =	vst v63  }
0x19: {  	p1 =	seq.s32 s8, $0x0  }
0x1a: {  	p2 =	seq.s32 @!p1 s8, $0x21  }
0x1b: {  	p1 =	por p1, p2  }
.Ltmp2:
0x1c: {  	_ = 	snop;
	(pc) =	sbr.rel @p1 .LBB1_7-.Ltmp2, $1  }
0x1d: {  	_ =	sdelay $0x3  }
0x1e: {  	s13 =	simm.s32 $0x1;
	_ =	swait.ge [sflag:s4], $0x4000;
	s16 =	sshll.u32 s8, $0xE  }
0x1f: {  	s13 =	simm.s32 @!p0 $0x0;
	[sflag:s4] =	ssyncset.done $0x0;
	s31 =	sand.u32 $0x4000, s16  }
0x20: {  	s16 =	simm.s32 $0x0;
	s14 =	sshll.u32 s13, $0xE;
	[sflag:s4] =	ssyncadd.s32 $0xFFFFC000  }
0x21: {  	s13 =	sor.u32 $0x8040, s14;
	s15 =	sor.u32 $0x40, s14;
	s14 =	sor.u32 $0x8000, s31  }
.LBB1_3:
0x22: {  	v0 =	vmov s15;
	_ =	sdelay $0x3  }
0x23: {  	s18 =	simm.s32 $0x0  }
0x24: {  	v6 =	vld.idx.msk [tilespmem:v0+s18+$0x30 ss:$0x1], $0xffff  }
0x25: {  	v7 =	vld.idx.msk [tilespmem:v0+s18+$0xFFFFFFC0 ss:$0x1], $0xffff  }
0x26: {  	v5 =	vld.idx.msk [tilespmem:v0+s18+$0xFFFFFFD0 ss:$0x1], $0xffff  }
0x27: {  	v4 =	vld.idx.msk [tilespmem:v0+s18+$0xFFFFFFE0 ss:$0x1], $0xffff  }
0x28: {  	v3 =	vld.idx.msk [tilespmem:v0+s18+$0xFFFFFFF0 ss:$0x1], $0xffff  }
0x29: {  	v1 =	vld.idx.msk [tilespmem:v0+s18+$0x0 ss:$0x1], $0xffff  }
0x2a: {  	v2 =	vld.idx.msk [tilespmem:v0+s18+$0x10 ss:$0x1], $0xffff;
	[tilespmem:s13+$0x30] =	vst v6  }
0x2b: {  	s17 =	simm.s32 $0x80;
	s19 =	simm.s32 $0x400;
	[tilespmem:s13+$0xFFFFFFC0] =	vst v7;
	v6 =	vld.idx.msk [tilespmem:v0+s18+$0x20 ss:$0x1], $0xffff;
	s18 =	smov.u32 s13  }
.LBB1_4:
0x2c: {  	p1 =	sne.s32 s19, $0xE00;
	v7 =	vld.idx.msk [tilespmem:v0+s17+$0x30 ss:$0x1], $0xffff;
	[tilespmem:s18+$0xFFFFFFD0] =	vst v5  }
0x2d: {  	v8 =	vld.idx.msk [tilespmem:v0+s17+$0xFFFFFFC0 ss:$0x1], $0xffff;
	[tilespmem:s18+$0xFFFFFFE0] =	vst v4  }
0x2e: {  	v5 =	vld.idx.msk [tilespmem:v0+s17+$0xFFFFFFD0 ss:$0x1], $0xffff;
	[tilespmem:s18+$0xFFFFFFF0] =	vst v3  }
.Ltmp3:
0x2f: {  	v4 =	vld.idx.msk [tilespmem:v0+s17+$0xFFFFFFE0 ss:$0x1], $0xffff;
	[tilespmem:s18+$0x0] =	vst v1;
	(pc) =	sbr.rel @p1 .LBB1_4-.Ltmp3, $4  }
0x30: {  	v3 =	vld.idx.msk [tilespmem:v0+s17+$0xFFFFFFF0 ss:$0x1], $0xffff;
	[tilespmem:s18+$0x10] =	vst v2  }
0x31: {  	v1 =	vld.idx.msk [tilespmem:v0+s17+$0x0 ss:$0x1], $0xffff;
	[tilespmem:s18+$0x20] =	vst v6;
	s18 =	sadd.s32 $0x800, s18  }
0x32: {  	v2 =	vld.idx.msk [tilespmem:v0+s17+$0x10 ss:$0x1], $0xffff;
	[tilespmem:s18+$0x30] =	vst v7  }
0x33: {  	[tilespmem:s18+$0xFFFFFFC0] =	vst v8;
	v6 =	vld.idx.msk [tilespmem:v0+s17+$0x20 ss:$0x1], $0xffff;
	s17 =	sshra.s32 s19, $0x2;
	s19 =	sadd.s32 $0x200, s19  }
0x34: {  	_ =	sdelay $0x2  }
0x35: {  	[tilespmem:s18+$0xFFFFFFD0] =	vst v5  }
0x36: {  	v56 =	vld.idx.msk [tilespmem:v0+s17+$0x30 ss:$0x1], $0xffff;
	[tilespmem:s18+$0xFFFFFFE0] =	vst v4  }
0x37: {  	v57 =	vld.idx.msk [tilespmem:v0+s17+$0xFFFFFFC0 ss:$0x1], $0xffff;
	[tilespmem:s18+$0xFFFFFFF0] =	vst v3  }
0x38: {  	v58 =	vld.idx.msk [tilespmem:v0+s17+$0xFFFFFFD0 ss:$0x1], $0xffff;
	[tilespmem:s18+$0x0] =	vst v1  }
0x39: {  	v59 =	vld.idx.msk [tilespmem:v0+s17+$0xFFFFFFE0 ss:$0x1], $0xffff;
	[tilespmem:s18+$0x10] =	vst v2  }
0x3a: {  	v60 =	vld.idx.msk [tilespmem:v0+s17+$0xFFFFFFF0 ss:$0x1], $0xffff;
	s31 =	sadd.s32 $0x800, s18;
	[tilespmem:s18+$0x20] =	vst v6  }
0x3b: {  	v61 =	vld.idx.msk [tilespmem:v0+s17+$0x0 ss:$0x1], $0xffff;
	[tilespmem:s31+$0x30] =	vst v56  }
0x3c: {  	v62 =	vld.idx.msk [tilespmem:v0+s17+$0x10 ss:$0x1], $0xffff;
	s16 =	sadd.s32 $0x1, s16;
	[tilespmem:s31+$0xFFFFFFC0] =	vst v57  }
0x3d: {  	v63 =	vld.idx.msk [tilespmem:v0+s17+$0x20 ss:$0x1], $0xffff;
	p1 =	sne.s32 s16, $0x10;
	[tilespmem:s31+$0xFFFFFFD0] =	vst v58  }
.Ltmp4:
0x3e: {  	[tilespmem:s31+$0xFFFFFFE0] =	vst v59;
	(pc) =	sbr.rel @p1 .LBB1_3-.Ltmp4, $4  }
0x3f: {  	[tilespmem:s31+$0xFFFFFFF0] =	vst v60  }
0x40: {  	[tilespmem:s31+$0x0] =	vst v61  }
0x41: {  	[tilespmem:s31+$0x10] =	vst v62  }
0x42: {  	s13 =	sadd.s32 $0x80, s13;
	s15 =	sadd.s32 $0x400, s15;
	[tilespmem:s31+$0x20] =	vst v63  }
.Ltmp5:
0x43: {  	(pc) =	sbr.rel .LBB1_7-.Ltmp5, $4  }
0x44: {  	s12 =	sshll.u32 s12, $0x10;
	s11 =	sshll.u32 s11, $0x4  }
0x45: {  	s11 =	sand.u32 $0x1FF0, s11;
	s12 =	sadd.s32 s3, s12  }
0x46: {  	s11 =	sadd.s32 s11, s12  }
0x47: {  	[hbm4b:s11+s6] =	stream.strided.scatter [tilespmem:s14], [sflag:$0x2], $0x4000, s7, s6, $0x38;
	[tilespmem:$0x10000] =	vst v63  }
.LBB1_8:
0x48: {  	_ =	sfence.sel $0x180000  }
0x49: {  	s2 =	simm.s32 $0x1;
	[bflag:$0x0] =	sbarrier.arrive $0xFFFF  }
0x4a: {  	s31 =	simm.s32 $0x2;
	[sflag:s2] =	ssyncpa.u1 $0x1  }
0x4b: {  	[sflag:s31] =	ssyncpa.u1 $0x1  }
0x4c: {  	p0 =	sne.s32 s1, $0x0;
	_ =	strace $0x90000047  }
0x4d: {  	s0 =	sadd.s32 @!p0 $0x100000, s0;
	[bflag:$0x2] =	sbarrier.arrive $0xFFFF  }
0x4e: {  	[sflag:s0] =	ssyncadd.tile.s32 @!p0 $0x1;
	_ =	shalt  }
.Lfunc_end1:
_tile_overlayer_lowered:
.L_overlay_start_2:
0x4f: {  	(tag) =	ssettag $0x2  }
0x50: {  	s0 =	rddreg [dreg:$0x0];
	s2 =	stileid.u32  }
0x51: {  	s1 =	rddreg [dreg:$0x1];
	p0 =	sne.s32 s2, $0x0  }
0x52: {  	s3 =	rddreg [dreg:$0x2];
	[bflag:$0x3] =	sbarrier.arrive $0xFFFF;
	s2 =	simm.s32 @!p0 $0x1C01  }
0x53: {  	[timem:s3], [sflag:s2] =	dma.local @!p0 [hbm:s0], s1  }
0x54: {  	s0 =	simm.s32 @!p0 $0x1  }
0x55: {  	_ =	swait.ge @!p0 [sflag:s0], s1  }
0x56: {  	s1 =	ssub.s32 @!p0 $0x0, s1;
	[sflag:s0] =	ssyncset.done @!p0 $0x0  }
0x57: {  	[sflag:s0] =	ssyncadd.s32 @!p0 s1  }
0x58: {  	[bflag:$0x3] =	sbarrier.arrive $0xFFFF  }
0x59: {  	_ =	shalt  }

</sc_bundles>
